<compile_context>
chip_gen: v7x
topology: tpu7x:2x2x1
jax: 0.10.2.dev20260603
libtpu: 0.0.44.dev20260713+nightly
codegen_flags: <defaults>
</compile_context>

<pallas_src>
import functools

import jax
import jax.numpy as jnp
from jax import lax
from jax.experimental import pallas as pl
from jax.experimental.pallas import tpu as pltpu
from jax.experimental.pallas import tpu_sc as plsc

RANK = 16
OUT_DIM = 64
NUM_CORES = 2
NUM_SUBCORES = 16
NW = NUM_CORES * NUM_SUBCORES


_PANEL = 32768


def _tc_pack_table(at):
    v = at.shape[1]
    steps = (v + _PANEL - 1) // _PANEL
    blk = _PANEL // 8
    rows_out = steps * blk

    def body(at_ref, out_ref):
        ri = lax.broadcasted_iota(jnp.int32, (RANK, RANK), 0)
        ci = lax.broadcasted_iota(jnp.int32, (RANK, RANK), 1)
        eye = (ri == ci).astype(jnp.float32)
        t = lax.dot_general(
            at_ref[...], eye, (((0,), (0,)), ((), ())),
            preferred_element_type=jnp.float32,
        )
        pieces = [t[blk * k : blk * (k + 1), :] for k in range(8)]
        out_ref[...] = jnp.concatenate(pieces, axis=1)

    return pl.pallas_call(
        body,
        grid=(steps,),
        in_specs=[pl.BlockSpec((RANK, _PANEL), lambda i: (0, i))],
        out_specs=pl.BlockSpec((blk, 128), lambda i: (i, 0)),
        out_shape=jax.ShapeDtypeStruct((rows_out, 128), jnp.float32),
    )(at)


def _remap_idx(v):
    blk = _PANEL // 8
    step = v // _PANEL
    rem = v & (_PANEL - 1)
    k = rem // blk
    p = rem % blk
    return (step * blk + p) * 8 + k


def _sc_gather(idx, table, chunk):
    n = idx.shape[0]
    b_per_w = n // NW
    n_chunks = b_per_w // chunk
    mesh = plsc.VectorSubcoreMesh(core_axis_name="c", subcore_axis_name="s")

    pack = 128 // RANK

    @functools.partial(
        pl.kernel,
        mesh=mesh,
        out_type=jax.ShapeDtypeStruct((n // pack, 128), jnp.float32),
        scratch_types=[
            pltpu.VMEM((chunk,), jnp.int32),
            pltpu.VMEM((chunk, RANK), jnp.float32),
            pltpu.VMEM((chunk // pack, 128), jnp.float32),
            pltpu.SemaphoreType.DMA,
        ],
        compiler_params=pltpu.CompilerParams(use_tc_tiling_on_sc=False),
    )
    def k(idx_hbm, table_hbm, out_hbm, idx_v, rows_v, packed_v, sem):
        wid = lax.axis_index("s") * NUM_CORES + lax.axis_index("c")
        base = wid * b_per_w

        def body(i, carry):
            off = base + i * chunk
            pltpu.sync_copy(idx_hbm.at[pl.ds(off, chunk)], idx_v)
            pltpu.async_copy(table_hbm.at[idx_v], rows_v, sem).wait()

            def repack(j, c):
                for kk in range(pack):
                    packed_v[j, pl.ds(kk * RANK, RANK)] = rows_v[
                        j * pack + kk, :
                    ]
                return c

            lax.fori_loop(0, chunk // pack, repack, 0)
            pltpu.sync_copy(
                packed_v, out_hbm.at[pl.ds(off // pack, chunk // pack)]
            )
            return carry

        lax.fori_loop(0, n_chunks, body, 0)

    return k(idx, table)


def _tc_project_fields(emb_packed, proj, batch, fields):
    q8 = batch // 8

    def body(emb_ref, p_ref, out_ref):
        for k in range(8):
            s = emb_ref[:, RANK * k : RANK * (k + 1)]
            cols = lax.dot_general(
                p_ref[...],
                s,
                (((0,), (1,)), ((), ())),
                preferred_element_type=jnp.float32,
            )
            out_ref[0, :, k * q8 : (k + 1) * q8] = cols

    return pl.pallas_call(
        body,
        grid=(fields,),
        in_specs=[
            pl.BlockSpec((q8, 128), lambda f: (f, 0)),
            pl.BlockSpec((RANK, OUT_DIM), lambda f: (0, 0)),
        ],
        out_specs=pl.BlockSpec((1, OUT_DIM, batch), lambda f: (f, 0, 0)),
        out_shape=jax.ShapeDtypeStruct((fields, OUT_DIM, batch), jnp.float32),
    )(emb_packed, proj)


def kernel(x, A, B):
    batch, fields = x.shape
    n = batch * fields
    idx = _remap_idx(
        x.T.astype(jnp.int32)
        .reshape(fields, 8, batch // 8)
        .transpose(0, 2, 1)
        .reshape(n)
    )
    table_packed = _tc_pack_table(A.T)
    table_rows = table_packed.shape[0] * (128 // RANK)
    emb_packed = _sc_gather(
        idx, table_packed.reshape(table_rows, RANK), chunk=1664
    )
    out_t = _tc_project_fields(emb_packed, B, batch, fields)
    return out_t.transpose(2, 0, 1)

# --- scband reference (transcript-rebuilt; emitter-appended) ---
"""Pipeline reference for scband-embedding-wrapper-55542517072270 (READ-ONLY COPY).

The authoritative reference and input builder live on the scoring server;
editing this copy changes nothing except your own understanding.
"""

import jax, jax.numpy as jnp
import numpy as np

VOCAB = 1000000
RANK = 16
OUT_DIM = 64
BATCH = 16384
FIELDS = 26

def setup_inputs(seed: int = 0) -> dict:
    key = jax.random.key(seed)
    k1, k2, k3 = jax.random.split(key, 3)
    x = jax.random.randint(k1, (BATCH, FIELDS), 0, VOCAB, dtype=jnp.int64)
    # low-rank embedding table A (vocab x rank), analogous to U[:, :r] * sqrt(s)
    A = jax.random.normal(k2, (VOCAB, RANK), dtype=jnp.float32) * 0.02
    # projection B (rank x out_dim), analogous to diag(sqrt(s)) @ V[:r, :]
    # (nn.Linear with weight = B.T computes emb @ B)
    B = jax.random.normal(k3, (RANK, OUT_DIM), dtype=jnp.float32) * 0.02
    return {"x": x, "A": A, "B": B}

def reference(x, A, B):
    # embedding lookup into low-rank table, then linear up-projection
    emb = jnp.take(A, x, axis=0)          # [B, F, rank]
    out = emb @ B                          # [B, F, out_dim]
    return out

if __name__ == "__main__":
    import jax
    _d = setup_inputs()
    print(jax.jit(kernel)(*tuple(_d.values())))

</pallas_src>

<mosaic_0001>
#map = affine_map<(d0, d1) -> (0)>
#map1 = affine_map<(d0, d1) -> (0, 0)>
module attributes {stable_mosaic.version = 14 : i64} {
  func.func @k(%arg0: i32, %arg1: i32, %arg2: memref<425984xi32, #tpu.memory_space<hbm>>, %arg3: memref<1015808x16xf32, #tpu.memory_space<hbm>>, %arg4: memref<53248x128xf32, #tpu.memory_space<hbm>>, %arg5: memref<1664xi32, #tpu.memory_space<vmem>>, %arg6: memref<1664x16xf32, #tpu.memory_space<vmem>>, %arg7: memref<208x128xf32, #tpu.memory_space<vmem>>, %arg8: memref<!tpu.dma_semaphore, #tpu.memory_space<semaphore_mem>>) attributes {dimension_semantics = [#tpu.dimension_semantics<core_parallel>, #tpu.dimension_semantics<subcore_parallel>], iteration_bounds = array<i64: 2, 16>, scalar_prefetch = 0 : i64, scratch_operands = 4 : i64, tpu.core_type = #tpu.core_type<sc_vector_subcore>, window_params = [{transform_indices = #map}, {transform_indices = #map1}, {transform_indices = #map1}]} {
    %mul3A = arith.constant 2 : i32
    %mul3A_0 = arith.muli %arg1, %mul3A : i32
    %add3A = arith.addi %mul3A_0, %arg0 : i32
    %mul3A_1 = arith.constant 13312 : i32
    %mul3A_2 = arith.muli %add3A, %mul3A_1 : i32
    %scan3A = arith.constant 0 : i32
    %scan3A_3 = arith.constant 0 : i32
    %scan3A_4 = arith.constant 8 : i32
    %scan3A_5 = arith.addi %scan3A_3, %scan3A_4 : i32
    %scan3A_6 = arith.constant 1 : i32
    scf.for %scan3A_8 = %scan3A_3 to %scan3A_5 step %scan3A_6  : i32 {
      %mul3A_9 = arith.constant 1664 : i32
      %mul3A_10 = arith.muli %scan3A_8, %mul3A_9 : i32
      %add3A_11 = arith.addi %mul3A_2, %mul3A_10 : i32
      "tpu.region"() ({
        %run_scoped3A = tpu.sem_alloc : memref<!tpu.dma_semaphore, #tpu.memory_space<semaphore_mem>>
        %dma_start3A_38 = tpu.memref_slice %arg2[%add3A_11] : memref<425984xi32, #tpu.memory_space<hbm>> -> memref<1664xi32, #tpu.memory_space<hbm>>
        %dma_start3A_39 = tpu.memref_slice %arg2[%add3A_11] : memref<425984xi32, #tpu.memory_space<hbm>> -> memref<1664xi32, #tpu.memory_space<hbm>>
        tpu.enqueue_dma source(%dma_start3A_39 : memref<1664xi32, #tpu.memory_space<hbm>>) target(%arg5 : memref<1664xi32, #tpu.memory_space<vmem>>) target_semaphore(%run_scoped3A : memref<!tpu.dma_semaphore, #tpu.memory_space<semaphore_mem>>)
        %dma_wait3A_40 = tpu.memref_slice %arg2[%add3A_11] : memref<425984xi32, #tpu.memory_space<hbm>> -> memref<1664xi32, #tpu.memory_space<hbm>>
        %dma_wait3A_41 = tpu.memref_slice %arg2[%add3A_11] : memref<425984xi32, #tpu.memory_space<hbm>> -> memref<1664xi32, #tpu.memory_space<hbm>>
        tpu.wait_dma2 semaphore(%run_scoped3A : memref<!tpu.dma_semaphore, #tpu.memory_space<semaphore_mem>>) src(%dma_wait3A_41 : memref<1664xi32, #tpu.memory_space<hbm>>) dst(%arg5 : memref<1664xi32, #tpu.memory_space<vmem>>)
        tpu.yield
      }) : () -> ()
      %dma_start3A = arith.constant 0 : i32
      %dma_start3A_12 = arith.constant 0 : i32
      %dma_start3A_13 = tpu.memref_slice %arg3[%dma_start3A, %dma_start3A_12] : memref<1015808x16xf32, #tpu.memory_space<hbm>> -> memref<1015808x16xf32, #tpu.memory_space<hbm>>
      tpu.enqueue_indirect_dma source(%dma_start3A_13 : memref<1015808x16xf32, #tpu.memory_space<hbm>>) target(%arg6 : memref<1664x16xf32, #tpu.memory_space<vmem>>) offsets(%arg5 : memref<1664xi32, #tpu.memory_space<vmem>>) semaphore(%arg8 : memref<!tpu.dma_semaphore, #tpu.memory_space<semaphore_mem>>)
      %dma_wait3A = arith.constant 0 : i32
      %dma_wait3A_14 = arith.constant 0 : i32
      %dma_wait3A_15 = tpu.memref_slice %arg3[%dma_wait3A, %dma_wait3A_14] : memref<1015808x16xf32, #tpu.memory_space<hbm>> -> memref<1015808x16xf32, #tpu.memory_space<hbm>>
      tpu.wait_indirect_dma semaphore(%arg8 : memref<!tpu.dma_semaphore, #tpu.memory_space<semaphore_mem>>) src(%dma_wait3A_15 : memref<1015808x16xf32, #tpu.memory_space<hbm>>) dst(%arg6 : memref<1664x16xf32, #tpu.memory_space<vmem>>)
      %scan3A_16 = arith.constant 0 : i32
      %scan3A_17 = arith.constant 0 : i32
      %scan3A_18 = arith.constant 208 : i32
      %scan3A_19 = arith.addi %scan3A_17, %scan3A_18 : i32
      %scan3A_20 = arith.constant 1 : i32
      scf.for %scan3A_38 = %scan3A_17 to %scan3A_19 step %scan3A_20  : i32 {
        %mul3A_39 = arith.constant 8 : i32
        %mul3A_40 = arith.muli %scan3A_38, %mul3A_39 : i32
        %add3A_41 = arith.constant 0 : i32
        %add3A_42 = arith.addi %mul3A_40, %add3A_41 : i32
        %get3A = arith.index_cast %add3A_42 : i32 to index
        %get3A_43 = arith.constant 0 : index
        %get3A_44 = tpu.vector_load %arg6[%get3A, %get3A_43] {strides = array<i32>} : memref<1664x16xf32, #tpu.memory_space<vmem>>, vector<1x16xf32>,
        %get3A_45 = vector.shape_cast %get3A_44 : vector<1x16xf32> to vector<16xf32>
        %swap3A = arith.index_cast %scan3A_38 : i32 to index
        %swap3A_46 = arith.constant 0 : index
        %swap3A_47 = tpu.vector_load %arg7[%swap3A, %swap3A_46] {strides = array<i32>} : memref<208x128xf32, #tpu.memory_space<vmem>>, vector<1x16xf32>,
        %swap3A_48 = vector.shape_cast %swap3A_47 : vector<1x16xf32> to vector<16xf32>
        %swap3A_49 = vector.shape_cast %get3A_45 : vector<16xf32> to vector<1x16xf32>
        tpu.vector_store %arg7[%swap3A, %swap3A_46], %swap3A_49 {strides = array<i32>} : memref<208x128xf32, #tpu.memory_space<vmem>>, vector<1x16xf32>,
        %mul3A_50 = arith.constant 8 : i32
        %mul3A_51 = arith.muli %scan3A_38, %mul3A_50 : i32
        %add3A_52 = arith.constant 1 : i32
        %add3A_53 = arith.addi %mul3A_51, %add3A_52 : i32
        %get3A_54 = arith.index_cast %add3A_53 : i32 to index
        %get3A_55 = arith.constant 0 : index
        %get3A_56 = tpu.vector_load %arg6[%get3A_54, %get3A_55] {strides = array<i32>} : memref<1664x16xf32, #tpu.memory_space<vmem>>, vector<1x16xf32>,
        %get3A_57 = vector.shape_cast %get3A_56 : vector<1x16xf32> to vector<16xf32>
        %swap3A_58 = arith.index_cast %scan3A_38 : i32 to index
        %swap3A_59 = arith.constant 16 : index
        %swap3A_60 = tpu.vector_load %arg7[%swap3A_58, %swap3A_59] {strides = array<i32>} : memref<208x128xf32, #tpu.memory_space<vmem>>, vector<1x16xf32>,
        %swap3A_61 = vector.shape_cast %swap3A_60 : vector<1x16xf32> to vector<16xf32>
        %swap3A_62 = vector.shape_cast %get3A_57 : vector<16xf32> to vector<1x16xf32>
        tpu.vector_store %arg7[%swap3A_58, %swap3A_59], %swap3A_62 {strides = array<i32>} : memref<208x128xf32, #tpu.memory_space<vmem>>, vector<1x16xf32>,
        %mul3A_63 = arith.constant 8 : i32
        %mul3A_64 = arith.muli %scan3A_38, %mul3A_63 : i32
        %add3A_65 = arith.constant 2 : i32
        %add3A_66 = arith.addi %mul3A_64, %add3A_65 : i32
        %get3A_67 = arith.index_cast %add3A_66 : i32 to index
        %get3A_68 = arith.constant 0 : index
        %get3A_69 = tpu.vector_load %arg6[%get3A_67, %get3A_68] {strides = array<i32>} : memref<1664x16xf32, #tpu.memory_space<vmem>>, vector<1x16xf32>,
        %get3A_70 = vector.shape_cast %get3A_69 : vector<1x16xf32> to vector<16xf32>
        %swap3A_71 = arith.index_cast %scan3A_38 : i32 to index
        %swap3A_72 = arith.constant 32 : index
        %swap3A_73 = tpu.vector_load %arg7[%swap3A_71, %swap3A_72] {strides = array<i32>} : memref<208x128xf32, #tpu.memory_space<vmem>>, vector<1x16xf32>,
        %swap3A_74 = vector.shape_cast %swap3A_73 : vector<1x16xf32> to vector<16xf32>
        %swap3A_75 = vector.shape_cast %get3A_70 : vector<16xf32> to vector<1x16xf32>
        tpu.vector_store %arg7[%swap3A_71, %swap3A_72], %swap3A_75 {strides = array<i32>} : memref<208x128xf32, #tpu.memory_space<vmem>>, vector<1x16xf32>,
        %mul3A_76 = arith.constant 8 : i32
        %mul3A_77 = arith.muli %scan3A_38, %mul3A_76 : i32
        %add3A_78 = arith.constant 3 : i32
        %add3A_79 = arith.addi %mul3A_77, %add3A_78 : i32
        %get3A_80 = arith.index_cast %add3A_79 : i32 to index
        %get3A_81 = arith.constant 0 : index
        %get3A_82 = tpu.vector_load %arg6[%get3A_80, %get3A_81] {strides = array<i32>} : memref<1664x16xf32, #tpu.memory_space<vmem>>, vector<1x16xf32>,
        %get3A_83 = vector.shape_cast %get3A_82 : vector<1x16xf32> to vector<16xf32>
        %swap3A_84 = arith.index_cast %scan3A_38 : i32 to index
        %swap3A_85 = arith.constant 48 : index
        %swap3A_86 = tpu.vector_load %arg7[%swap3A_84, %swap3A_85] {strides = array<i32>} : memref<208x128xf32, #tpu.memory_space<vmem>>, vector<1x16xf32>,
        %swap3A_87 = vector.shape_cast %swap3A_86 : vector<1x16xf32> to vector<16xf32>
        %swap3A_88 = vector.shape_cast %get3A_83 : vector<16xf32> to vector<1x16xf32>
        tpu.vector_store %arg7[%swap3A_84, %swap3A_85], %swap3A_88 {strides = array<i32>} : memref<208x128xf32, #tpu.memory_space<vmem>>, vector<1x16xf32>,
        %mul3A_89 = arith.constant 8 : i32
        %mul3A_90 = arith.muli %scan3A_38, %mul3A_89 : i32
        %add3A_91 = arith.constant 4 : i32
        %add3A_92 = arith.addi %mul3A_90, %add3A_91 : i32
        %get3A_93 = arith.index_cast %add3A_92 : i32 to index
        %get3A_94 = arith.constant 0 : index
        %get3A_95 = tpu.vector_load %arg6[%get3A_93, %get3A_94] {strides = array<i32>} : memref<1664x16xf32, #tpu.memory_space<vmem>>, vector<1x16xf32>,
        %get3A_96 = vector.shape_cast %get3A_95 : vector<1x16xf32> to vector<16xf32>
        %swap3A_97 = arith.index_cast %scan3A_38 : i32 to index
        %swap3A_98 = arith.constant 64 : index
        %swap3A_99 = tpu.vector_load %arg7[%swap3A_97, %swap3A_98] {strides = array<i32>} : memref<208x128xf32, #tpu.memory_space<vmem>>, vector<1x16xf32>,
        %swap3A_100 = vector.shape_cast %swap3A_99 : vector<1x16xf32> to vector<16xf32>
        %swap3A_101 = vector.shape_cast %get3A_96 : vector<16xf32> to vector<1x16xf32>
        tpu.vector_store %arg7[%swap3A_97, %swap3A_98], %swap3A_101 {strides = array<i32>} : memref<208x128xf32, #tpu.memory_space<vmem>>, vector<1x16xf32>,
        %mul3A_102 = arith.constant 8 : i32
        %mul3A_103 = arith.muli %scan3A_38, %mul3A_102 : i32
        %add3A_104 = arith.constant 5 : i32
        %add3A_105 = arith.addi %mul3A_103, %add3A_104 : i32
        %get3A_106 = arith.index_cast %add3A_105 : i32 to index
        %get3A_107 = arith.constant 0 : index
        %get3A_108 = tpu.vector_load %arg6[%get3A_106, %get3A_107] {strides = array<i32>} : memref<1664x16xf32, #tpu.memory_space<vmem>>, vector<1x16xf32>,
        %get3A_109 = vector.shape_cast %get3A_108 : vector<1x16xf32> to vector<16xf32>
        %swap3A_110 = arith.index_cast %scan3A_38 : i32 to index
        %swap3A_111 = arith.constant 80 : index
        %swap3A_112 = tpu.vector_load %arg7[%swap3A_110, %swap3A_111] {strides = array<i32>} : memref<208x128xf32, #tpu.memory_space<vmem>>, vector<1x16xf32>,
        %swap3A_113 = vector.shape_cast %swap3A_112 : vector<1x16xf32> to vector<16xf32>
        %swap3A_114 = vector.shape_cast %get3A_109 : vector<16xf32> to vector<1x16xf32>
        tpu.vector_store %arg7[%swap3A_110, %swap3A_111], %swap3A_114 {strides = array<i32>} : memref<208x128xf32, #tpu.memory_space<vmem>>, vector<1x16xf32>,
        %mul3A_115 = arith.constant 8 : i32
        %mul3A_116 = arith.muli %scan3A_38, %mul3A_115 : i32
        %add3A_117 = arith.constant 6 : i32
        %add3A_118 = arith.addi %mul3A_116, %add3A_117 : i32
        %get3A_119 = arith.index_cast %add3A_118 : i32 to index
        %get3A_120 = arith.constant 0 : index
        %get3A_121 = tpu.vector_load %arg6[%get3A_119, %get3A_120] {strides = array<i32>} : memref<1664x16xf32, #tpu.memory_space<vmem>>, vector<1x16xf32>,
        %get3A_122 = vector.shape_cast %get3A_121 : vector<1x16xf32> to vector<16xf32>
        %swap3A_123 = arith.index_cast %scan3A_38 : i32 to index
        %swap3A_124 = arith.constant 96 : index
        %swap3A_125 = tpu.vector_load %arg7[%swap3A_123, %swap3A_124] {strides = array<i32>} : memref<208x128xf32, #tpu.memory_space<vmem>>, vector<1x16xf32>,
        %swap3A_126 = vector.shape_cast %swap3A_125 : vector<1x16xf32> to vector<16xf32>
        %swap3A_127 = vector.shape_cast %get3A_122 : vector<16xf32> to vector<1x16xf32>
        tpu.vector_store %arg7[%swap3A_123, %swap3A_124], %swap3A_127 {strides = array<i32>} : memref<208x128xf32, #tpu.memory_space<vmem>>, vector<1x16xf32>,
        %mul3A_128 = arith.constant 8 : i32
        %mul3A_129 = arith.muli %scan3A_38, %mul3A_128 : i32
        %add3A_130 = arith.constant 7 : i32
        %add3A_131 = arith.addi %mul3A_129, %add3A_130 : i32
        %get3A_132 = arith.index_cast %add3A_131 : i32 to index
        %get3A_133 = arith.constant 0 : index
        %get3A_134 = tpu.vector_load %arg6[%get3A_132, %get3A_133] {strides = array<i32>} : memref<1664x16xf32, #tpu.memory_space<vmem>>, vector<1x16xf32>,
        %get3A_135 = vector.shape_cast %get3A_134 : vector<1x16xf32> to vector<16xf32>
        %swap3A_136 = arith.index_cast %scan3A_38 : i32 to index
        %swap3A_137 = arith.constant 112 : index
        %swap3A_138 = tpu.vector_load %arg7[%swap3A_136, %swap3A_137] {strides = array<i32>} : memref<208x128xf32, #tpu.memory_space<vmem>>, vector<1x16xf32>,
        %swap3A_139 = vector.shape_cast %swap3A_138 : vector<1x16xf32> to vector<16xf32>
        %swap3A_140 = vector.shape_cast %get3A_135 : vector<16xf32> to vector<1x16xf32>
        tpu.vector_store %arg7[%swap3A_136, %swap3A_137], %swap3A_140 {strides = array<i32>} : memref<208x128xf32, #tpu.memory_space<vmem>>, vector<1x16xf32>,
      }
      %scan3A_21 = arith.constant 208 : i32
      %jit3A = arith.constant 8 : i32
      %div3A = arith.divsi %add3A_11, %jit3A : i32
      %sign3A = arith.constant 0 : i32
      %sign3A_22 = arith.cmpi sgt, %add3A_11, %sign3A : i32
      %sign3A_23 = arith.extui %sign3A_22 : i1 to i32
      %sign3A_24 = arith.constant 0 : i32
      %sign3A_25 = arith.cmpi slt, %add3A_11, %sign3A_24 : i32
      %sign3A_26 = arith.extui %sign3A_25 : i1 to i32
      %sign3A_27 = arith.subi %sign3A_23, %sign3A_26 : i32
      %sign3A_28 = arith.constant 0 : i32
      %sign3A_29 = arith.cmpi sgt, %jit3A, %sign3A_28 : i32
      %sign3A_30 = arith.extui %sign3A_29 : i1 to i32
      %sign3A_31 = arith.constant 0 : i32
      %sign3A_32 = arith.cmpi slt, %jit3A, %sign3A_31 : i32
      %sign3A_33 = arith.extui %sign3A_32 : i1 to i32
      %sign3A_34 = arith.subi %sign3A_30, %sign3A_33 : i32
      %ne3A = arith.cmpi ne, %sign3A_27, %sign3A_34 : i32
      %rem3A = arith.remsi %add3A_11, %jit3A : i32
      %ne3A_35 = arith.constant 0 : i32
      %ne3A_36 = arith.cmpi ne, %rem3A, %ne3A_35 : i32
      %and3A = arith.andi %ne3A, %ne3A_36 : i1
      %sub3A = arith.constant 1 : i32
      %sub3A_37 = arith.subi %div3A, %sub3A : i32
      %select_n3A = arith.select %and3A, %sub3A_37, %div3A : i32
      "tpu.region"() ({
        %run_scoped3A = tpu.sem_alloc : memref<!tpu.dma_semaphore, #tpu.memory_space<semaphore_mem>>
        %dma_start3A_38 = arith.constant 0 : i32
        %dma_start3A_39 = tpu.memref_slice %arg4[%select_n3A, %dma_start3A_38] : memref<53248x128xf32, #tpu.memory_space<hbm>> -> memref<208x128xf32, #tpu.memory_space<hbm>>
        %dma_start3A_40 = arith.constant 0 : i32
        %dma_start3A_41 = tpu.memref_slice %arg4[%select_n3A, %dma_start3A_40] : memref<53248x128xf32, #tpu.memory_space<hbm>> -> memref<208x128xf32, #tpu.memory_space<hbm>>
        tpu.enqueue_dma source(%arg7 : memref<208x128xf32, #tpu.memory_space<vmem>>) target(%dma_start3A_41 : memref<208x128xf32, #tpu.memory_space<hbm>>) target_semaphore(%run_scoped3A : memref<!tpu.dma_semaphore, #tpu.memory_space<semaphore_mem>>)
        %dma_wait3A_42 = arith.constant 0 : i32
        %dma_wait3A_43 = tpu.memref_slice %arg4[%select_n3A, %dma_wait3A_42] : memref<53248x128xf32, #tpu.memory_space<hbm>> -> memref<208x128xf32, #tpu.memory_space<hbm>>
        %dma_wait3A_44 = arith.constant 0 : i32
        %dma_wait3A_45 = tpu.memref_slice %arg4[%select_n3A, %dma_wait3A_44] : memref<53248x128xf32, #tpu.memory_space<hbm>> -> memref<208x128xf32, #tpu.memory_space<hbm>>
        tpu.wait_dma2 semaphore(%run_scoped3A : memref<!tpu.dma_semaphore, #tpu.memory_space<semaphore_mem>>) src(%arg7 : memref<208x128xf32, #tpu.memory_space<vmem>>) dst(%dma_wait3A_45 : memref<208x128xf32, #tpu.memory_space<hbm>>)
        tpu.yield
      }) : () -> ()
    }
    %scan3A_7 = arith.constant 8 : i32
    return
  }
}

module attributes {stable_mosaic.version = 14 : i64} {
  func.func @body(%arg0: i32, %arg1: memref<16x32768xf32, #tpu.memory_space<vmem>>, %arg2: memref<4096x128xf32, #tpu.memory_space<vmem>>) attributes {dimension_semantics = [#tpu.dimension_semantics<arbitrary>], iteration_bounds = array<i64: 31>, scalar_prefetch = 0 : i64, scratch_operands = 0 : i64, tpu.core_type = #tpu.core_type<tc>, window_params = [{transform_indices = @transform_0, window_bounds = array<i64: 16, 32768>}, {transform_indices = @transform_1, window_bounds = array<i64: 4096, 128>}]} {
    %iota3A = tpu.iota {dimensions = array<i32: 0>} : vector<16x16xi32>
    %iota3A_0 = tpu.iota {dimensions = array<i32: 1>} : vector<16x16xi32>
    %eq3A = arith.cmpi eq, %iota3A, %iota3A_0 : vector<16x16xi32>
    %convert_element_type3A = arith.extui %eq3A : vector<16x16xi1> to vector<16x16xi32>
    %convert_element_type3A_1 = arith.sitofp %convert_element_type3A : vector<16x16xi32> to vector<16x16xf32>
    %get3A = arith.constant 0 : index
    %get3A_2 = arith.constant 0 : index
    %get3A_3 = vector.load %arg1[%get3A, %get3A_2] : memref<16x32768xf32, #tpu.memory_space<vmem>>, vector<16x32768xf32>
    %dot_general3A = arith.constant dense<0.000000e+00> : vector<32768x16xf32>
    %dot_general3A_4 = tpu.matmul %get3A_3, %convert_element_type3A_1, %dot_general3A {dimension_numbers = #tpu.dot_dimension_numbers<[0], [0], [1], [1], [0, 1, 1, 1], [], []>, transpose_lhs_hint = false} : vector<16x32768xf32>, vector<16x16xf32>, vector<32768x16xf32> -> vector<32768x16xf32>
    %slice3A = vector.extract_strided_slice %dot_general3A_4 {offsets = [0, 0], sizes = [4096, 16], strides = [1, 1]} : vector<32768x16xf32> to vector<4096x16xf32>
    %slice3A_5 = vector.extract_strided_slice %dot_general3A_4 {offsets = [4096, 0], sizes = [4096, 16], strides = [1, 1]} : vector<32768x16xf32> to vector<4096x16xf32>
    %slice3A_6 = vector.extract_strided_slice %dot_general3A_4 {offsets = [8192, 0], sizes = [4096, 16], strides = [1, 1]} : vector<32768x16xf32> to vector<4096x16xf32>
    %slice3A_7 = vector.extract_strided_slice %dot_general3A_4 {offsets = [12288, 0], sizes = [4096, 16], strides = [1, 1]} : vector<32768x16xf32> to vector<4096x16xf32>
    %slice3A_8 = vector.extract_strided_slice %dot_general3A_4 {offsets = [16384, 0], sizes = [4096, 16], strides = [1, 1]} : vector<32768x16xf32> to vector<4096x16xf32>
    %slice3A_9 = vector.extract_strided_slice %dot_general3A_4 {offsets = [20480, 0], sizes = [4096, 16], strides = [1, 1]} : vector<32768x16xf32> to vector<4096x16xf32>
    %slice3A_10 = vector.extract_strided_slice %dot_general3A_4 {offsets = [24576, 0], sizes = [4096, 16], strides = [1, 1]} : vector<32768x16xf32> to vector<4096x16xf32>
    %slice3A_11 = vector.extract_strided_slice %dot_general3A_4 {offsets = [28672, 0], sizes = [4096, 16], strides = [1, 1]} : vector<32768x16xf32> to vector<4096x16xf32>
    %concatenate3A = tpu.concatenate %slice3A, %slice3A_5, %slice3A_6, %slice3A_7, %slice3A_8, %slice3A_9, %slice3A_10, %slice3A_11 in 1 : vector<4096x16xf32>, vector<4096x16xf32>, vector<4096x16xf32>, vector<4096x16xf32>, vector<4096x16xf32>, vector<4096x16xf32>, vector<4096x16xf32>, vector<4096x16xf32> -> vector<4096x128xf32>
    %swap3A = arith.constant 0 : index
    %swap3A_12 = arith.constant 0 : index
    %swap3A_13 = vector.load %arg2[%swap3A, %swap3A_12] : memref<4096x128xf32, #tpu.memory_space<vmem>>, vector<4096x128xf32>
    tpu.vector_store %arg2[%swap3A, %swap3A_12], %concatenate3A {strides = array<i32>} : memref<4096x128xf32, #tpu.memory_space<vmem>>, vector<4096x128xf32>,
    return
  }
  func.func @transform_0(%arg0: i32) -> (i32, i32) {
    %c0_i32 = arith.constant 0 : i32
    %c0_i32_0 = arith.constant 0 : i32
    return %c0_i32, %arg0 : i32, i32
  }
  func.func @transform_1(%arg0: i32) -> (i32, i32) {
    %c0_i32 = arith.constant 0 : i32
    %c0_i32_0 = arith.constant 0 : i32
    return %arg0, %c0_i32 : i32, i32
  }
}

module attributes {stable_mosaic.version = 14 : i64} {
  func.func @body(%arg0: i32, %arg1: memref<2048x128xf32, #tpu.memory_space<vmem>>, %arg2: memref<16x64xf32, #tpu.memory_space<vmem>>, %arg3: memref<1x64x16384xf32, #tpu.memory_space<vmem>>) attributes {dimension_semantics = [#tpu.dimension_semantics<arbitrary>], iteration_bounds = array<i64: 26>, scalar_prefetch = 0 : i64, scratch_operands = 0 : i64, tpu.core_type = #tpu.core_type<tc>, window_params = [{transform_indices = @transform_0, window_bounds = array<i64: 2048, 128>}, {pipeline_mode = #tpu.pipeline_mode<synchronous>, transform_indices = @transform_1, window_bounds = array<i64: 16, 64>}, {transform_indices = @transform_2, window_bounds = array<i64: 1, 64, 16384>}]} {
    %get3A = arith.constant 0 : index
    %get3A_0 = arith.constant 0 : index
    %get3A_1 = vector.load %arg1[%get3A, %get3A_0] : memref<2048x128xf32, #tpu.memory_space<vmem>>, vector<2048x16xf32>
    %get3A_2 = arith.constant 0 : index
    %get3A_3 = arith.constant 0 : index
    %get3A_4 = vector.load %arg2[%get3A_2, %get3A_3] : memref<16x64xf32, #tpu.memory_space<vmem>>, vector<16x64xf32>
    %dot_general3A = arith.constant dense<0.000000e+00> : vector<64x2048xf32>
    %dot_general3A_5 = tpu.matmul %get3A_4, %get3A_1, %dot_general3A {dimension_numbers = #tpu.dot_dimension_numbers<[0], [1], [1], [0], [0, 1, 1, 0], [], []>, transpose_lhs_hint = false} : vector<16x64xf32>, vector<2048x16xf32>, vector<64x2048xf32> -> vector<64x2048xf32>
    %swap3A = arith.constant 0 : index
    %swap3A_6 = arith.constant 0 : index
    %swap3A_7 = arith.constant 0 : index
    %swap3A_8 = vector.load %arg3[%swap3A, %swap3A_6, %swap3A_7] : memref<1x64x16384xf32, #tpu.memory_space<vmem>>, vector<1x64x2048xf32>
    %swap3A_9 = vector.shape_cast %swap3A_8 : vector<1x64x2048xf32> to vector<64x2048xf32>
    %swap3A_10 = vector.shape_cast %dot_general3A_5 : vector<64x2048xf32> to vector<1x64x2048xf32>
    tpu.vector_store %arg3[%swap3A, %swap3A_6, %swap3A_7], %swap3A_10 {strides = array<i32>} : memref<1x64x16384xf32, #tpu.memory_space<vmem>>, vector<1x64x2048xf32>,
    %get3A_11 = arith.constant 0 : index
    %get3A_12 = arith.constant 16 : index
    %get3A_13 = vector.load %arg1[%get3A_11, %get3A_12] : memref<2048x128xf32, #tpu.memory_space<vmem>>, vector<2048x16xf32>
    %get3A_14 = arith.constant 0 : index
    %get3A_15 = arith.constant 0 : index
    %get3A_16 = vector.load %arg2[%get3A_14, %get3A_15] : memref<16x64xf32, #tpu.memory_space<vmem>>, vector<16x64xf32>
    %dot_general3A_17 = arith.constant dense<0.000000e+00> : vector<64x2048xf32>
    %dot_general3A_18 = tpu.matmul %get3A_16, %get3A_13, %dot_general3A_17 {dimension_numbers = #tpu.dot_dimension_numbers<[0], [1], [1], [0], [0, 1, 1, 0], [], []>, transpose_lhs_hint = false} : vector<16x64xf32>, vector<2048x16xf32>, vector<64x2048xf32> -> vector<64x2048xf32>
    %swap3A_19 = arith.constant 0 : index
    %swap3A_20 = arith.constant 0 : index
    %swap3A_21 = arith.constant 2048 : index
    %swap3A_22 = vector.load %arg3[%swap3A_19, %swap3A_20, %swap3A_21] : memref<1x64x16384xf32, #tpu.memory_space<vmem>>, vector<1x64x2048xf32>
    %swap3A_23 = vector.shape_cast %swap3A_22 : vector<1x64x2048xf32> to vector<64x2048xf32>
    %swap3A_24 = vector.shape_cast %dot_general3A_18 : vector<64x2048xf32> to vector<1x64x2048xf32>
    tpu.vector_store %arg3[%swap3A_19, %swap3A_20, %swap3A_21], %swap3A_24 {strides = array<i32>} : memref<1x64x16384xf32, #tpu.memory_space<vmem>>, vector<1x64x2048xf32>,
    %get3A_25 = arith.constant 0 : index
    %get3A_26 = arith.constant 32 : index
    %get3A_27 = vector.load %arg1[%get3A_25, %get3A_26] : memref<2048x128xf32, #tpu.memory_space<vmem>>, vector<2048x16xf32>
    %get3A_28 = arith.constant 0 : index
    %get3A_29 = arith.constant 0 : index
    %get3A_30 = vector.load %arg2[%get3A_28, %get3A_29] : memref<16x64xf32, #tpu.memory_space<vmem>>, vector<16x64xf32>
    %dot_general3A_31 = arith.constant dense<0.000000e+00> : vector<64x2048xf32>
    %dot_general3A_32 = tpu.matmul %get3A_30, %get3A_27, %dot_general3A_31 {dimension_numbers = #tpu.dot_dimension_numbers<[0], [1], [1], [0], [0, 1, 1, 0], [], []>, transpose_lhs_hint = false} : vector<16x64xf32>, vector<2048x16xf32>, vector<64x2048xf32> -> vector<64x2048xf32>
    %swap3A_33 = arith.constant 0 : index
    %swap3A_34 = arith.constant 0 : index
    %swap3A_35 = arith.constant 4096 : index
    %swap3A_36 = vector.load %arg3[%swap3A_33, %swap3A_34, %swap3A_35] : memref<1x64x16384xf32, #tpu.memory_space<vmem>>, vector<1x64x2048xf32>
    %swap3A_37 = vector.shape_cast %swap3A_36 : vector<1x64x2048xf32> to vector<64x2048xf32>
    %swap3A_38 = vector.shape_cast %dot_general3A_32 : vector<64x2048xf32> to vector<1x64x2048xf32>
    tpu.vector_store %arg3[%swap3A_33, %swap3A_34, %swap3A_35], %swap3A_38 {strides = array<i32>} : memref<1x64x16384xf32, #tpu.memory_space<vmem>>, vector<1x64x2048xf32>,
    %get3A_39 = arith.constant 0 : index
    %get3A_40 = arith.constant 48 : index
    %get3A_41 = vector.load %arg1[%get3A_39, %get3A_40] : memref<2048x128xf32, #tpu.memory_space<vmem>>, vector<2048x16xf32>
    %get3A_42 = arith.constant 0 : index
    %get3A_43 = arith.constant 0 : index
    %get3A_44 = vector.load %arg2[%get3A_42, %get3A_43] : memref<16x64xf32, #tpu.memory_space<vmem>>, vector<16x64xf32>
    %dot_general3A_45 = arith.constant dense<0.000000e+00> : vector<64x2048xf32>
    %dot_general3A_46 = tpu.matmul %get3A_44, %get3A_41, %dot_general3A_45 {dimension_numbers = #tpu.dot_dimension_numbers<[0], [1], [1], [0], [0, 1, 1, 0], [], []>, transpose_lhs_hint = false} : vector<16x64xf32>, vector<2048x16xf32>, vector<64x2048xf32> -> vector<64x2048xf32>
    %swap3A_47 = arith.constant 0 : index
    %swap3A_48 = arith.constant 0 : index
    %swap3A_49 = arith.constant 6144 : index
    %swap3A_50 = vector.load %arg3[%swap3A_47, %swap3A_48, %swap3A_49] : memref<1x64x16384xf32, #tpu.memory_space<vmem>>, vector<1x64x2048xf32>
    %swap3A_51 = vector.shape_cast %swap3A_50 : vector<1x64x2048xf32> to vector<64x2048xf32>
    %swap3A_52 = vector.shape_cast %dot_general3A_46 : vector<64x2048xf32> to vector<1x64x2048xf32>
    tpu.vector_store %arg3[%swap3A_47, %swap3A_48, %swap3A_49], %swap3A_52 {strides = array<i32>} : memref<1x64x16384xf32, #tpu.memory_space<vmem>>, vector<1x64x2048xf32>,
    %get3A_53 = arith.constant 0 : index
    %get3A_54 = arith.constant 64 : index
    %get3A_55 = vector.load %arg1[%get3A_53, %get3A_54] : memref<2048x128xf32, #tpu.memory_space<vmem>>, vector<2048x16xf32>
    %get3A_56 = arith.constant 0 : index
    %get3A_57 = arith.constant 0 : index
    %get3A_58 = vector.load %arg2[%get3A_56, %get3A_57] : memref<16x64xf32, #tpu.memory_space<vmem>>, vector<16x64xf32>
    %dot_general3A_59 = arith.constant dense<0.000000e+00> : vector<64x2048xf32>
    %dot_general3A_60 = tpu.matmul %get3A_58, %get3A_55, %dot_general3A_59 {dimension_numbers = #tpu.dot_dimension_numbers<[0], [1], [1], [0], [0, 1, 1, 0], [], []>, transpose_lhs_hint = false} : vector<16x64xf32>, vector<2048x16xf32>, vector<64x2048xf32> -> vector<64x2048xf32>
    %swap3A_61 = arith.constant 0 : index
    %swap3A_62 = arith.constant 0 : index
    %swap3A_63 = arith.constant 8192 : index
    %swap3A_64 = vector.load %arg3[%swap3A_61, %swap3A_62, %swap3A_63] : memref<1x64x16384xf32, #tpu.memory_space<vmem>>, vector<1x64x2048xf32>
    %swap3A_65 = vector.shape_cast %swap3A_64 : vector<1x64x2048xf32> to vector<64x2048xf32>
    %swap3A_66 = vector.shape_cast %dot_general3A_60 : vector<64x2048xf32> to vector<1x64x2048xf32>
    tpu.vector_store %arg3[%swap3A_61, %swap3A_62, %swap3A_63], %swap3A_66 {strides = array<i32>} : memref<1x64x16384xf32, #tpu.memory_space<vmem>>, vector<1x64x2048xf32>,
    %get3A_67 = arith.constant 0 : index
    %get3A_68 = arith.constant 80 : index
    %get3A_69 = vector.load %arg1[%get3A_67, %get3A_68] : memref<2048x128xf32, #tpu.memory_space<vmem>>, vector<2048x16xf32>
    %get3A_70 = arith.constant 0 : index
    %get3A_71 = arith.constant 0 : index
    %get3A_72 = vector.load %arg2[%get3A_70, %get3A_71] : memref<16x64xf32, #tpu.memory_space<vmem>>, vector<16x64xf32>
    %dot_general3A_73 = arith.constant dense<0.000000e+00> : vector<64x2048xf32>
    %dot_general3A_74 = tpu.matmul %get3A_72, %get3A_69, %dot_general3A_73 {dimension_numbers = #tpu.dot_dimension_numbers<[0], [1], [1], [0], [0, 1, 1, 0], [], []>, transpose_lhs_hint = false} : vector<16x64xf32>, vector<2048x16xf32>, vector<64x2048xf32> -> vector<64x2048xf32>
    %swap3A_75 = arith.constant 0 : index
    %swap3A_76 = arith.constant 0 : index
    %swap3A_77 = arith.constant 10240 : index
    %swap3A_78 = vector.load %arg3[%swap3A_75, %swap3A_76, %swap3A_77] : memref<1x64x16384xf32, #tpu.memory_space<vmem>>, vector<1x64x2048xf32>
    %swap3A_79 = vector.shape_cast %swap3A_78 : vector<1x64x2048xf32> to vector<64x2048xf32>
    %swap3A_80 = vector.shape_cast %dot_general3A_74 : vector<64x2048xf32> to vector<1x64x2048xf32>
    tpu.vector_store %arg3[%swap3A_75, %swap3A_76, %swap3A_77], %swap3A_80 {strides = array<i32>} : memref<1x64x16384xf32, #tpu.memory_space<vmem>>, vector<1x64x2048xf32>,
    %get3A_81 = arith.constant 0 : index
    %get3A_82 = arith.constant 96 : index
    %get3A_83 = vector.load %arg1[%get3A_81, %get3A_82] : memref<2048x128xf32, #tpu.memory_space<vmem>>, vector<2048x16xf32>
    %get3A_84 = arith.constant 0 : index
    %get3A_85 = arith.constant 0 : index
    %get3A_86 = vector.load %arg2[%get3A_84, %get3A_85] : memref<16x64xf32, #tpu.memory_space<vmem>>, vector<16x64xf32>
    %dot_general3A_87 = arith.constant dense<0.000000e+00> : vector<64x2048xf32>
    %dot_general3A_88 = tpu.matmul %get3A_86, %get3A_83, %dot_general3A_87 {dimension_numbers = #tpu.dot_dimension_numbers<[0], [1], [1], [0], [0, 1, 1, 0], [], []>, transpose_lhs_hint = false} : vector<16x64xf32>, vector<2048x16xf32>, vector<64x2048xf32> -> vector<64x2048xf32>
    %swap3A_89 = arith.constant 0 : index
    %swap3A_90 = arith.constant 0 : index
    %swap3A_91 = arith.constant 12288 : index
    %swap3A_92 = vector.load %arg3[%swap3A_89, %swap3A_90, %swap3A_91] : memref<1x64x16384xf32, #tpu.memory_space<vmem>>, vector<1x64x2048xf32>
    %swap3A_93 = vector.shape_cast %swap3A_92 : vector<1x64x2048xf32> to vector<64x2048xf32>
    %swap3A_94 = vector.shape_cast %dot_general3A_88 : vector<64x2048xf32> to vector<1x64x2048xf32>
    tpu.vector_store %arg3[%swap3A_89, %swap3A_90, %swap3A_91], %swap3A_94 {strides = array<i32>} : memref<1x64x16384xf32, #tpu.memory_space<vmem>>, vector<1x64x2048xf32>,
    %get3A_95 = arith.constant 0 : index
    %get3A_96 = arith.constant 112 : index
    %get3A_97 = vector.load %arg1[%get3A_95, %get3A_96] : memref<2048x128xf32, #tpu.memory_space<vmem>>, vector<2048x16xf32>
    %get3A_98 = arith.constant 0 : index
    %get3A_99 = arith.constant 0 : index
    %get3A_100 = vector.load %arg2[%get3A_98, %get3A_99] : memref<16x64xf32, #tpu.memory_space<vmem>>, vector<16x64xf32>
    %dot_general3A_101 = arith.constant dense<0.000000e+00> : vector<64x2048xf32>
    %dot_general3A_102 = tpu.matmul %get3A_100, %get3A_97, %dot_general3A_101 {dimension_numbers = #tpu.dot_dimension_numbers<[0], [1], [1], [0], [0, 1, 1, 0], [], []>, transpose_lhs_hint = false} : vector<16x64xf32>, vector<2048x16xf32>, vector<64x2048xf32> -> vector<64x2048xf32>
    %swap3A_103 = arith.constant 0 : index
    %swap3A_104 = arith.constant 0 : index
    %swap3A_105 = arith.constant 14336 : index
    %swap3A_106 = vector.load %arg3[%swap3A_103, %swap3A_104, %swap3A_105] : memref<1x64x16384xf32, #tpu.memory_space<vmem>>, vector<1x64x2048xf32>
    %swap3A_107 = vector.shape_cast %swap3A_106 : vector<1x64x2048xf32> to vector<64x2048xf32>
    %swap3A_108 = vector.shape_cast %dot_general3A_102 : vector<64x2048xf32> to vector<1x64x2048xf32>
    tpu.vector_store %arg3[%swap3A_103, %swap3A_104, %swap3A_105], %swap3A_108 {strides = array<i32>} : memref<1x64x16384xf32, #tpu.memory_space<vmem>>, vector<1x64x2048xf32>,
    return
  }
  func.func @transform_0(%arg0: i32) -> (i32, i32) {
    %c0_i32 = arith.constant 0 : i32
    %c0_i32_0 = arith.constant 0 : i32
    return %arg0, %c0_i32 : i32, i32
  }
  func.func @transform_1(%arg0: i32) -> (i32, i32) {
    %c0_i32 = arith.constant 0 : i32
    %c0_i32_0 = arith.constant 0 : i32
    %c0_i32_1 = arith.constant 0 : i32
    return %c0_i32, %c0_i32_0 : i32, i32
  }
  func.func @transform_2(%arg0: i32) -> (i32, i32, i32) {
    %c0_i32 = arith.constant 0 : i32
    %c0_i32_0 = arith.constant 0 : i32
    %c0_i32_1 = arith.constant 0 : i32
    return %arg0, %c0_i32, %c0_i32_0 : i32, i32, i32
  }
}

</mosaic_0001>

<sc_bundles>
// kernel: kernel.5.cloned.1.call-start
scs
__scs_entry_jumppad:
0x0: {  	(pc) =	sbr.rel $0x88, $3  }
0x1: {  	(tag) =	ssettag $0x0;
	lr =	simm.s32 $0x1  }
0x2: {  	[smem:$0x3F9E] =	sst lr;
	_ =	strace $0xD0000000  }
0x3: {  	_ = 	snop  }
0x4: {  	_ = 	snop  }
0x5: {  	_ = 	snop  }
0x6: {  	_ = 	snop  }
0x7: {  	_ = 	snop  }
__scs_overlays_trampoline_lowered:
0x8: {  	[smem:$0x3FAD] =	sst s0  }
0x9: {  	[smem:$0x3FAE] =	sst s1  }
0xa: {  	[smem:$0x3FAF] =	sst s2  }
0xb: {  	[smem:$0x3FB0] =	sst s3  }
0xc: {  	[smem:$0x3FB1] =	sst s4  }
0xd: {  	[smem:$0x3FB2] =	sst s5  }
0xe: {  	[smem:$0x3FB3] =	sst s6  }
0xf: {  	[smem:$0x3FB4] =	sst s7  }
0x10: {  	[smem:$0x3FB5] =	sst s8  }
0x11: {  	[smem:$0x3FB6] =	sst s9;
	s0 =	simm.s32 @!p0 $0x0  }
0x12: {  	s1 =	sld [smem:$0x3F9C];
	s0 =	simm.s32 @p0 $0x1  }
0x13: {  	[smem:$0x3FB7] =	sst s0;
	s0 =	simm.s32 @!p1 $0x0  }
0x14: {  	s2 =	sld [smem:$0x3F9B];
	s0 =	simm.s32 @p1 $0x1  }
0x15: {  	[smem:$0x3FB8] =	sst s0;
	s0 =	simm.s32 @!p2 $0x0  }
0x16: {  	s3 =	sld [smem:$0x3FDB];
	s0 =	simm.s32 @p2 $0x1  }
0x17: {  	s4 =	simm.s32 $0x1BF5;
	[smem:$0x3FBA] =	sst s0  }
0x18: {  	s0 =	sld [smem:$0x3F9D];
	_ =	swait.ge [sflag:s4], $0x0  }
0x19: {  	s7 =	sld [smem:$0x3F9E]  }
0x1a: {  	s8 =	sadd.s32 $0xFFFFE003, lr  }
0x1b: {  	s9 =	sadd.s32 $0xFFFFFEF7, lr;
	s5 =	simm.s32 $0xFFFFFFFF;
	p2 =	slt.u32 s8, $0xFFFFF086  }
0x1c: {  	p1 =	slt.u32 s9, $0xF7A;
	s5 =	simm.s32 @!p2 $0x0  }
0x1d: {  	s5 =	simm.s32 @p1 $0x1;
	p0 =	seq.s32 s7, s2  }
0x1e: {  	s7 =	smul.u32 @!p0 $0xF7A, s2;
	p2 =	seq.s32 @!p0 s5, $0x0  }
0x1f: {  	s9 =	smul.u32 $0xF7A, s1;
	s8 =	simm.s32 @!p0 $0x1BF5;
	p2 =	por !p2, p0  }
0x20: {  	[sflag:s8] =	ssyncset.s32 @!p0 $0xFFFFF086;
	s6 =	sadd.s32 @!p0 s3, s7;
	s7 =	simm.s32 @!p0 $0x108  }
0x21: {  	s3 =	sadd.s32 s3, s9;
	s6 =	sadd.s32 @!p0 $0x88, s6;
	s7 =	simm.s32 @p2 $0x1082  }
0x22: {  	[simem:s7], [sflag:s8] =	dma.local @!p0 [hbm:s6], $0xF7A  }
0x23: {  	s9 =	sor.u32 $0xD0000000, s2;
	s6 =	simm.s32 $0x108;
	_ =	swait.ge @!p0 [sflag:s8], $0x0  }
0x24: {  	s3 =	sadd.s32 $0x88, s3;
	s6 =	simm.s32 @!p1 $0x1082;
	[sflag:s4] =	ssyncset.s32 $0xFFFFF086  }
0x25: {  	[simem:s6], [sflag:s4] =	dma.local [hbm:s3], $0xF7A  }
0x26: {  	[smem:$0x3F9E] =	sst s1;
	(tag) =	ssettag s2;
	_ =	strace s9  }
0x27: {  	s1 =	sld [smem:$0x3FAE]  }
0x28: {  	s2 =	sld [smem:$0x3FAF]  }
0x29: {  	s4 =	sld [smem:$0x3FB1]  }
0x2a: {  	p0 =	seq.s32 s5, $0x0;
	s5 =	sld [smem:$0x3FB2]  }
0x2b: {  	s6 =	sld [smem:$0x3FB3]  }
0x2c: {  	s7 =	sld [smem:$0x3FB4]  }
0x2d: {  	s3 =	simm.s32 $0x108;
	s8 =	sld [smem:$0x3FB5]  }
0x2e: {  	s3 =	simm.s32 @!p0 $0x1082;
	s9 =	sld [smem:$0x3FB6]  }
0x2f: {  	lr =	sadd.s32 s0, s3;
	s0 =	sld [smem:$0x3FAD]  }
0x30: {  	s3 =	sld [smem:$0x3FB0]  }
0x31: {  	[smem:$0x3FB9] =	sst s10  }
0x32: {  	s10 =	sld [smem:$0x3FB7];
	_ =	sdelay $0x3  }
0x33: {  	p0 =	seq.s32 s10, $0x1;
	s10 =	sld [smem:$0x3FB9];
	_ =	sdelay $0x3  }
0x34: {  	[smem:$0x3FB9] =	sst s10  }
0x35: {  	s10 =	sld [smem:$0x3FB8];
	_ =	sdelay $0x3  }
0x36: {  	p1 =	seq.s32 s10, $0x1;
	s10 =	sld [smem:$0x3FB9];
	_ =	sdelay $0x3  }
0x37: {  	[smem:$0x3FB9] =	sst s10  }
0x38: {  	s10 =	sld [smem:$0x3FBA]  }
0x39: {  	_ = 	snop;
	(pc) =	sbr.ind lr, $3  }
0x3a: {  	_ = 	snop  }
0x3b: {  	_ = 	snop  }
0x3c: {  	p2 =	seq.s32 s10, $0x1;
	s10 =	sld [smem:$0x3FB9]  }
0x3d: {  	_ =	shalt  }
0x3e: {  	_ =	shalt  }
0x3f: {  	_ =	shalt  }
0x40: {  	_ =	shalt  }
0x41: {  	_ =	shalt  }
0x42: {  	_ =	shalt  }
0x43: {  	_ =	shalt  }
0x44: {  	_ =	shalt  }
0x45: {  	_ =	shalt  }
0x46: {  	_ =	shalt  }
0x47: {  	_ =	shalt  }
0x48: {  	_ =	shalt  }
0x49: {  	_ =	shalt  }
0x4a: {  	_ =	shalt  }
0x4b: {  	_ =	shalt  }
0x4c: {  	_ =	shalt  }
0x4d: {  	_ =	shalt  }
0x4e: {  	_ =	shalt  }
0x4f: {  	_ =	shalt  }
0x50: {  	_ =	shalt  }
0x51: {  	_ =	shalt  }
0x52: {  	_ =	shalt  }
0x53: {  	_ =	shalt  }
0x54: {  	_ =	shalt  }
0x55: {  	_ =	shalt  }
0x56: {  	_ =	shalt  }
0x57: {  	_ =	shalt  }
0x58: {  	_ =	shalt  }
0x59: {  	_ =	shalt  }
0x5a: {  	_ =	shalt  }
0x5b: {  	_ =	shalt  }
0x5c: {  	_ =	shalt  }
0x5d: {  	_ =	shalt  }
0x5e: {  	_ =	shalt  }
0x5f: {  	_ =	shalt  }
0x60: {  	_ =	shalt  }
0x61: {  	_ =	shalt  }
0x62: {  	_ =	shalt  }
0x63: {  	_ =	shalt  }
0x64: {  	_ =	shalt  }
0x65: {  	_ =	shalt  }
0x66: {  	_ =	shalt  }
0x67: {  	_ =	shalt  }
0x68: {  	_ =	shalt  }
0x69: {  	_ =	shalt  }
0x6a: {  	_ =	shalt  }
0x6b: {  	_ =	shalt  }
0x6c: {  	_ =	shalt  }
0x6d: {  	_ =	shalt  }
0x6e: {  	_ =	shalt  }
0x6f: {  	_ =	shalt  }
0x70: {  	_ =	shalt  }
0x71: {  	_ =	shalt  }
0x72: {  	_ =	shalt  }
0x73: {  	_ =	shalt  }
0x74: {  	_ =	shalt  }
0x75: {  	_ =	shalt  }
0x76: {  	_ =	shalt  }
0x77: {  	_ =	shalt  }
0x78: {  	_ =	shalt  }
0x79: {  	_ =	shalt  }
0x7a: {  	_ =	shalt  }
0x7b: {  	_ =	shalt  }
0x7c: {  	_ =	shalt  }
0x7d: {  	_ =	shalt  }
0x7e: {  	_ =	shalt  }
0x7f: {  	_ =	shalt  }
0x80: {  	_ =	shalt  }
0x81: {  	_ =	shalt  }
0x82: {  	_ =	shalt  }
0x83: {  	_ =	shalt  }
0x84: {  	_ =	shalt  }
0x85: {  	_ =	shalt  }
0x86: {  	_ =	shalt  }
0x87: {  	_ =	shalt  }
.Lfunc_end0:
.L_simem_size_0:
called_computation_lowered:
.L_overlay_start_0:
0x88: {  	s2 =	sld [smem:$0x3FD9]  }
0x89: {  	s3 =	sld [smem:$0x3FFE];
	_ =	sdelay $0x1  }
0x8a: {  	s1 =	srdreg.scid  }
0x8b: {  	s0 =	sand.u32 $0x1, s1  }
0x8c: {  	s17 =	sshll.u32 s0, $0xA;
	s2 =	sadd.s32 s3, s2  }
0x8d: {  	s2 =	sadd.s32 s2, s17  }
0x8e: {  	[smem:$0x3FC5] =	sst s2  }
0x8f: {  	_ = 	snop  }
0x90: {  	s2 =	sld [smem:$0x3FD0];
	(tm) =	ssettm $0x1  }
0x91: {  	s18 =	sld [smem:$0x3FFB];
	_ =	sdelay $0x3  }
0x92: {  	_ =	strace s18  }
0x93: {  	s3 =	sld [smem:$0x3FFC];
	_ =	sdelay $0x3  }
0x94: {  	_ =	strace s3  }
0x95: {  	s3 =	sld [smem:$0x3FFD];
	_ =	sdelay $0x3  }
0x96: {  	_ =	strace s3  }
0x97: {  	_ =	strace $0x8FFFFFFF  }
0x98: {  	s19 =	sld [smem:$0x3FDB];
	_ =	sdelay $0x1  }
0x99: {  	s4 =	simm.s32 $_scs_section_size  }
0x9a: {  	s5 =	simm.s32 $_size__tile_overlayer_lowered;
	s6 =	simm.s32 $_tile_overlayer_lowered  }
0x9b: {  	s22 =	simm.s32 $0x1BFF;
	s21 =	sshll.u32 s6, $0x1;
	s3 =	sadd.s32 s4, s19  }
0x9c: {  	s7 =	simm.s32 $0x0;
	s20 =	sshll.u32 s5, $0x1;
	s5 =	sadd.s32 s21, s3  }
0x9d: {  	[timem:s7], [sflag:s22] =	dma.local [hbm:s5], s20  }
0x9e: {  	_ =	swait.ge [sflag:s22], s20  }
0x9f: {  	s4 =	ssub.s32 $0x0, s20;
	[sflag:s22] =	ssyncset.done $0x0  }
0xa0: {  	[sflag:s22] =	ssyncadd.s32 s4;
	_ =	sdelay $0x1  }
0xa1: {  	s23 =	simm.s32 $0x1B8B  }
0xa2: {  	_ =	swait.ge [sflag:s23], $0x1  }
0xa3: {  	[sflag:s23] =	ssyncset.done $0x0  }
0xa4: {  	s25 =	simm.s32 $0x1B8E;
	s24 =	sld [smem:$0x3FFE];
	[sflag:s23] =	ssyncadd.s32 $0xFFFFFFFF  }
0xa5: {  	s26 =	simm.s32 $execute0_lowered;
	[smem:$0x3FD2] =	sst s25  }
0xa6: {  	s5 =	sshll.u32 s26, $0x1;
	_ =	strace $0x80000046;
	[dreg:$0x1] =	wrdreg $0xFFFFFFFF  }
0xa7: {  	s28 =	simm.s32 $_size_execute0_lowered;
	s3 =	sadd.s32 s3, s5;
	[dreg:$0x0] =	wrdreg $0x0  }
0xa8: {  	s5 =	sshll.u32 s28, $0x1;
	[dreg:$0x2] =	wrdreg s3  }
0xa9: {  	[dreg:$0x3] =	wrdreg s5  }
0xaa: {  	[dreg:$0x4] =	wrdreg $0xC0  }
0xab: {  	_ =	task [dreg:s7], $0x5FFFF  }
0xac: {  	[dreg:$0x1] =	wrdreg $0xFFFFFFFF  }
0xad: {  	[dreg:$0x0] =	wrdreg $0x60  }
0xae: {  	[dreg:$0x2] =	wrdreg s24  }
0xaf: {  	[dreg:$0x3] =	wrdreg s2  }
0xb0: {  	[dreg:$0x4] =	wrdreg $0x9  }
0xb1: {  	_ =	task.clear_ibuf [dreg:s7], $0x5FFFF;
	_ =	strace $0x90000046  }
0xb2: {  	s29 =	simm.s32 $0x9;
	_ =	strace $0x80000048  }
0xb3: {  	_ =	swait.ge [sflag:s29], $0x1  }
0xb4: {  	[sflag:s29] =	ssyncadd.s32 $0xFFFFFFFF  }
0xb5: {  	_ =	strace $0x90000048  }
0xb6: {  	_ =	sfence  }
0xb7: {  	s30 =	sld [smem:$0x0];
	_ =	sdelay $0x2  }
0xb8: {  	s31 =	sshll.u32 s1, $0xD;
	s1 =	sshrl.u32 s1, $0x2  }
0xb9: {  	s3 =	sand.u32 $0x4000, s31;
	s1 =	sadd.s32 s1, s30  }
0xba: {  	s0 =	sor.u32 s3, s0;
	s1 =	sshll.u32 s1, $0x11  }
0xbb: {  	s0 =	sor.u32 s1, s0  }
0xbc: {  	s0 =	sadd.s32 $0x8F2B, s0  }
0xbd: {  	[sflag:s0] =	ssyncadd.remote.s32 $0x1  }
0xbe: {  	_ =	sfence.sel $0xFFFF  }
0xbf: {  	[dreg:$0x0] =	wrdreg $0xFFFFFFFF;
	(pc) =	sbr.abs _section_cstart, $3  }
0xc0: {  	[dreg:$0x1] =	wrdreg $0xFFFFFFFF  }
0xc1: {  	_ =	task.clear_ibuf [dreg:s7], $0x2FFFF;
	_ =	strace $0x9FFFFFFF  }
0xc2: {  	(tm) =	ssettm $0x7FFFFFFF  }
0xc3: {  	_ =	shalt  }
tec
execute0_lowered:
.L_overlay_start_1:
0x0: {  	(tag) =	ssettag $0x1  }
0x1: {  	s5 =	rddreg [dreg:$0x0]  }
0x2: {  	s1 =	rddreg [dreg:$0x1]  }
0x3: {  	s0 =	rddreg [dreg:$0x2];
	s3 =	simm.s32 $0x0;
	s4 =	srdreg.scid  }
0x4: {  	s2 =	stileid.u32;
	s10 =	simm.s32 $0x1;
	s11 =	simm.s32 $0x6E80  }
0x5: {  	s12 =	simm.s32 $0x0;
	[smem:$0x7FF] =	sst s3;
	s6 =	sand.u32 $0x1, s4  }
0x6: {  	s8 =	sshll.u32 s2, $0x1;
	s4 =	sadd.s32 $0x600, s5;
	s7 =	ssub.s32 $0x2, s6  }
0x7: {  	s5 =	sadd.s32 $0xD600, s5;
	_ =	strace $0x80000047;
	s9 =	sshrl.u32 s7, $0x1  }
0x8: {  	s6 =	sor.u32 s6, s8;
	s8 =	simm.s32 $0x2;
	s7 =	ssub.s32 s7, s9  }
0x9: {  	s6 =	smul.u32 $0x3400, s6;
	s9 =	simm.s32 $0x680;
	s7 =	smax.u32 s7, $0x1  }
.LBB2_1:
0xa: {  	s13 =	simm.s32 $0x0  }
.LBB2_2:
0xb: {  	s14 =	smul.u32 $0x680, s13;
	_ =	sdelay $0x1  }
0xc: {  	s14 =	sadd.s32 s6, s14  }
0xd: {  	s15 =	sshrl.u32 s14, $0x3  }
0xe: {  	s16 =	simm.s32 $0x0;
	s15 =	sadd.s32 s4, s15  }
0xf: {  	[tilespmem:s16], [sflag:$0x2] =	stream.linear.gather [hbm4b:s15+s16], $0x680, $0x38;
	[tilespmem:$0xD680] =	vst v63  }
0x10: {  	_ =	swait.ge [sflag:s8], $0x680  }
0x11: {  	[sflag:s8] =	ssyncset.done $0x0  }
0x12: {  	[sflag:s8] =	ssyncadd.s32 $0xFFFFF980  }
0x13: {  	[tilespmem:s9], [sflag:$0x1] =	stream.indirect.gather [hbm4b:s1+s9], $0x10, s16, s9, $0xb8;
	[tilespmem:$0xD680] =	vst v63  }
0x14: {  	_ =	swait.ge [sflag:s10], $0x6800  }
0x15: {  	[sflag:s10] =	ssyncset.done $0x0  }
0x16: {  	s15 =	simm.s32 $0x0;
	[sflag:s10] =	ssyncadd.s32 $0xFFFF9800  }
0x17: {  	v3 =	vld [tilespmem:s15+$0x6F0]  }
0x18: {  	v4 =	vld [tilespmem:s15+$0x680]  }
0x19: {  	v5 =	vld [tilespmem:s15+$0x690]  }
0x1a: {  	v2 =	vld [tilespmem:s15+$0x6A0]  }
0x1b: {  	v0 =	vld [tilespmem:s15+$0x6B0]  }
0x1c: {  	v1 =	vld [tilespmem:s15+$0x6C0];
	[tilespmem:s15+$0x6EF0] =	vst v3  }
0x1d: {  	[tilespmem:s15+$0x6E80] =	vst v4;
	v3 =	vld [tilespmem:s15+$0x6D0]  }
0x1e: {  	s17 =	simm.s32 $0x400;
	s16 =	simm.s32 $0x80;
	[tilespmem:s15+$0x6E90] =	vst v5;
	v4 =	vld [tilespmem:s15+$0x6E0]  }
.LBB2_3:
0x1f: {  	p0 =	sne.s32 s17, $0x19E00;
	v5 =	vld [tilespmem:s16+$0x6F0];
	[tilespmem:s15+$0x6EA0] =	vst v2  }
0x20: {  	v6 =	vld [tilespmem:s16+$0x680];
	[tilespmem:s15+$0x6EB0] =	vst v0  }
0x21: {  	v7 =	vld [tilespmem:s16+$0x690];
	[tilespmem:s15+$0x6EC0] =	vst v1  }
.Ltmp0:
0x22: {  	v2 =	vld [tilespmem:s16+$0x6A0];
	[tilespmem:s15+$0x6ED0] =	vst v3;
	(pc) =	sbr.rel @p0 .LBB2_3-.Ltmp0, $4  }
0x23: {  	v0 =	vld [tilespmem:s16+$0x6B0];
	[tilespmem:s15+$0x6EE0] =	vst v4;
	s15 =	smov.u32 s16  }
0x24: {  	v1 =	vld [tilespmem:s15+$0x6C0];
	[tilespmem:s15+$0x6EF0] =	vst v5  }
0x25: {  	[tilespmem:s15+$0x6E80] =	vst v6;
	v3 =	vld [tilespmem:s15+$0x6D0]  }
0x26: {  	s16 =	sshra.s32 s17, $0x2;
	s17 =	sadd.s32 $0x200, s17;
	[tilespmem:s15+$0x6E90] =	vst v7;
	v4 =	vld [tilespmem:s15+$0x6E0]  }
0x27: {  	v5 =	vld [tilespmem:s16+$0x6F0];
	[tilespmem:s15+$0x6EA0] =	vst v2  }
0x28: {  	v2 =	vld [tilespmem:s16+$0x680];
	[tilespmem:s15+$0x6EB0] =	vst v0  }
0x29: {  	v0 =	vld [tilespmem:s16+$0x690];
	[tilespmem:s15+$0x6EC0] =	vst v1  }
0x2a: {  	v1 =	vld [tilespmem:s16+$0x6A0];
	[tilespmem:s15+$0x6ED0] =	vst v3  }
0x2b: {  	v3 =	vld [tilespmem:s16+$0x6B0];
	[tilespmem:s15+$0x6EE0] =	vst v4  }
0x2c: {  	v4 =	vld [tilespmem:s16+$0x6C0];
	[tilespmem:s16+$0x6EF0] =	vst v5  }
0x2d: {  	v62 =	vld [tilespmem:s16+$0x6D0];
	[tilespmem:s16+$0x6E80] =	vst v2  }
0x2e: {  	v63 =	vld [tilespmem:s16+$0x6E0];
	[tilespmem:s16+$0x6E90] =	vst v0  }
0x2f: {  	[tilespmem:s16+$0x6EA0] =	vst v1  }
0x30: {  	[tilespmem:s16+$0x6EB0] =	vst v3  }
0x31: {  	s13 =	sadd.s32 $0x1, s13;
	[tilespmem:s16+$0x6EC0] =	vst v4  }
0x32: {  	s14 =	sshll.u32 s14, $0x1;
	p0 =	sne.s32 s13, $0x8;
	[tilespmem:s16+$0x6ED0] =	vst v62  }
.Ltmp1:
0x33: {  	s14 =	sadd.s32 s5, s14;
	[tilespmem:s16+$0x6EE0] =	vst v63;
	(pc) =	sbr.rel @p0 .LBB2_2-.Ltmp1, $4  }
0x34: {  	[hbm4b:s14+s3] =	stream.linear.scatter [tilespmem:s11], [sflag:$0x2], $0x6800, $0x38;
	[tilespmem:$0xD680] =	vst v63  }
0x35: {  	_ =	swait.ge [sflag:s8], $0x6800  }
0x36: {  	[sflag:s8] =	ssyncset.done $0x0  }
0x37: {  	[sflag:s8] =	ssyncadd.s32 $0xFFFF9800  }
0x38: {  	s12 =	sadd.s32 $0x1, s12  }
0x39: {  	p0 =	sne.s32 s12, s7  }
.Ltmp2:
0x3a: {  	_ = 	snop;
	(pc) =	sbr.rel @p0 .LBB2_1-.Ltmp2, $1  }
0x3b: {  	_ =	sdelay $0x3  }
0x3c: {  	_ =	sfence.sel $0x180000  }
0x3d: {  	[bflag:$0x0] =	sbarrier.arrive $0xFFFF  }
0x3e: {  	p0 =	sne.s32 s2, $0x0;
	_ =	strace $0x90000047  }
0x3f: {  	s0 =	sadd.s32 @!p0 $0x100000, s0;
	[bflag:$0x2] =	sbarrier.arrive $0xFFFF  }
0x40: {  	[sflag:s0] =	ssyncadd.tile.s32 @!p0 $0x1;
	_ =	shalt  }
.Lfunc_end2:
_tile_overlayer_lowered:
.L_overlay_start_2:
0x41: {  	(tag) =	ssettag $0x2  }
0x42: {  	s0 =	rddreg [dreg:$0x0];
	s2 =	stileid.u32  }
0x43: {  	s1 =	rddreg [dreg:$0x1];
	p0 =	sne.s32 s2, $0x0  }
0x44: {  	s3 =	rddreg [dreg:$0x2];
	[bflag:$0x3] =	sbarrier.arrive $0xFFFF;
	s2 =	simm.s32 @!p0 $0x1C02  }
0x45: {  	[timem:s3], [sflag:s2] =	dma.local @!p0 [hbm:s0], s1  }
0x46: {  	s0 =	simm.s32 @!p0 $0x2  }
0x47: {  	_ =	swait.ge @!p0 [sflag:s0], s1  }
0x48: {  	s1 =	ssub.s32 @!p0 $0x0, s1;
	[sflag:s0] =	ssyncset.done @!p0 $0x0  }
0x49: {  	[sflag:s0] =	ssyncadd.s32 @!p0 s1  }
0x4a: {  	[bflag:$0x3] =	sbarrier.arrive $0xFFFF  }
0x4b: {  	_ =	shalt  }

</sc_bundles>
